<compile_context>
chip_gen: v7x
topology: tpu7x:2x2x1
jax: 0.10.2.dev20260603
libtpu: 0.0.44.dev20260713+nightly
codegen_flags: <defaults>
</compile_context>

<pallas_src>
import jax
import jax.numpy as jnp
from jax import lax
from jax.experimental import pallas as pl
from jax.experimental.pallas import tpu as pltpu
from jax.experimental.pallas import tpu_sc as plsc

D_MODEL = 1024
BATCH = 128
L = 16

NC = 2
NS = 16
NW = NC * NS
BPW = BATCH // NW


def _body(tok_hbm, idx_hbm, table_hbm, pos_hbm, out_hbm,
          tok_v, pidx_v, rows_v, pos_v, sem_t, sem_p):
    c = lax.axis_index("c")
    s = lax.axis_index("s")
    wid = s * NC + c
    base = wid * BPW

    cp_tok = pltpu.async_copy(tok_hbm.at[wid], tok_v, sem_t)
    cp_idx = pltpu.async_copy(idx_hbm, pidx_v.at[pl.ds(0, 1)], sem_p)
    cp_idx.wait()

    pidx_v[...] = pidx_v[...] + 1

    cp_p = pltpu.async_copy(pos_hbm.at[pidx_v.at[pl.ds(0, 1)]], pos_v, sem_p)
    cp_tok.wait()
    cp_t = pltpu.async_copy(table_hbm.at[tok_v], rows_v, sem_t)
    cp_p.wait()
    cp_t.wait()

    def add_chunk(j, carry):
        off = j * L
        pc = pos_v[0, pl.ds(off, L)]
        for b in range(BPW):
            rows_v[b, pl.ds(off, L)] += pc
        return carry

    lax.fori_loop(0, D_MODEL // L, add_chunk, 0)

    for b in range(BPW):
        pltpu.async_copy(rows_v.at[pl.ds(b, 1)], out_hbm.at[base + b], sem_t)
    pltpu.make_async_copy(rows_v, out_hbm.at[pl.ds(0, BPW), 0], sem_t).wait()


def kernel(next_token, idx, speech_emb, pos_emb):
    mesh = plsc.VectorSubcoreMesh(
        core_axis_name="c", subcore_axis_name="s",
        num_cores=NC, num_subcores=NS)
    out = pl.kernel(
        _body,
        mesh=mesh,
        out_type=jax.ShapeDtypeStruct((BATCH, 1, D_MODEL), jnp.float32),
        scratch_types=[
            pltpu.VMEM((BPW,), jnp.int32),
            pltpu.VMEM((L,), jnp.int32),
            pltpu.VMEM((BPW, D_MODEL), jnp.float32),
            pltpu.VMEM((1, D_MODEL), jnp.float32),
            pltpu.SemaphoreType.DMA,
            pltpu.SemaphoreType.DMA,
        ],
        compiler_params=pltpu.CompilerParams(allow_input_fusion=[True, False, False, False]),
        name="speech_embedding_sc",
    )(next_token.reshape(NW, BPW), idx, speech_emb, pos_emb)
    return out

# --- scband reference (transcript-rebuilt; emitter-appended) ---
"""Pipeline reference for scband-speech-embedding-51556787421316 (READ-ONLY COPY).

The authoritative reference and input builder live on the scoring server;
editing this copy changes nothing except your own understanding.
"""

import jax, jax.numpy as jnp
import numpy as np

VOCAB = 8194
D_MODEL = 1024
MAX_POS = 4096
BATCH = 128

def setup_inputs(seed: int = 0) -> dict:
    key = jax.random.key(seed)
    k1, k2, k3, k4 = jax.random.split(key, 4)
    next_token = jax.random.randint(k1, (BATCH, 1), 0, VOCAB, dtype=jnp.int64 if jax.config.jax_enable_x64 else jnp.int32).astype(jnp.int32)
    idx = jax.random.randint(k2, (1,), 0, 2048, dtype=jnp.int32)
    speech_emb = jax.random.normal(k3, (VOCAB, D_MODEL), dtype=jnp.float32) * 0.02
    pos_emb = jax.random.normal(k4, (MAX_POS, D_MODEL), dtype=jnp.float32) * 0.02
    return {"next_token": next_token, "idx": idx, "speech_emb": speech_emb, "pos_emb": pos_emb}

def reference(next_token, idx, speech_emb, pos_emb):
    # next_token_embed = speech_emb(next_token): gather rows -> [B, 1, D]
    tok_embed = jnp.take(speech_emb, next_token, axis=0)
    # speech_pos_emb.get_fixed_embedding(idx + 1): gather single position -> [1, 1, D]
    pos = jnp.take(pos_emb, idx + 1, axis=0).reshape(1, 1, D_MODEL)
    return tok_embed + pos

if __name__ == "__main__":
    import jax
    _d = setup_inputs()
    print(jax.jit(kernel)(*tuple(_d.values())))

</pallas_src>

<mosaic_0001>
#map = affine_map<(d0, d1) -> (0, 0)>
#map1 = affine_map<(d0, d1) -> (0)>
#map2 = affine_map<(d0, d1) -> (0, 0, 0)>
module attributes {stable_mosaic.version = 14 : i64} {
  func.func @speech_embedding_sc(%arg0: i32, %arg1: i32, %arg2: memref<32x4xi32, #tpu.memory_space<hbm>>, %arg3: memref<1xi32, #tpu.memory_space<hbm>>, %arg4: memref<8194x1024xf32, #tpu.memory_space<hbm>>, %arg5: memref<4096x1024xf32, #tpu.memory_space<hbm>>, %arg6: memref<128x1x1024xf32, #tpu.memory_space<hbm>>, %arg7: memref<4xi32, #tpu.memory_space<vmem>>, %arg8: memref<16xi32, #tpu.memory_space<vmem>>, %arg9: memref<4x1024xf32, #tpu.memory_space<vmem>>, %arg10: memref<1x1024xf32, #tpu.memory_space<vmem>>, %arg11: memref<!tpu.dma_semaphore, #tpu.memory_space<semaphore_mem>>, %arg12: memref<!tpu.dma_semaphore, #tpu.memory_space<semaphore_mem>>) attributes {dimension_semantics = [#tpu.dimension_semantics<core_parallel>, #tpu.dimension_semantics<subcore_parallel>], iteration_bounds = array<i64: 2, 16>, scalar_prefetch = 0 : i64, scratch_operands = 6 : i64, tpu.core_type = #tpu.core_type<sc_vector_subcore>, window_params = [{transform_indices = #map}, {transform_indices = #map1}, {transform_indices = #map}, {transform_indices = #map}, {transform_indices = #map2}]} {
    %mul3A = arith.constant 2 : i32
    %mul3A_0 = arith.muli %arg1, %mul3A : i32
    %add3A = arith.addi %mul3A_0, %arg0 : i32
    %mul3A_1 = arith.constant 4 : i32
    %mul3A_2 = arith.muli %add3A, %mul3A_1 : i32
    %dma_start3A = arith.constant 0 : i32
    %dma_start3A_3 = tpu.memref_slice %arg2[%add3A, %dma_start3A] : memref<32x4xi32, #tpu.memory_space<hbm>> -> memref<1x4xi32, #tpu.memory_space<hbm>>
    %dma_start3A_4 = tpu.memref_squeeze %dma_start3A_3 : memref<1x4xi32, #tpu.memory_space<hbm>> -> memref<4xi32, #tpu.memory_space<hbm>>
    %dma_start3A_5 = arith.constant 0 : i32
    %dma_start3A_6 = tpu.memref_slice %arg2[%add3A, %dma_start3A_5] : memref<32x4xi32, #tpu.memory_space<hbm>> -> memref<1x4xi32, #tpu.memory_space<hbm>>
    %dma_start3A_7 = tpu.memref_squeeze %dma_start3A_6 : memref<1x4xi32, #tpu.memory_space<hbm>> -> memref<4xi32, #tpu.memory_space<hbm>>
    tpu.enqueue_dma source(%dma_start3A_7 : memref<4xi32, #tpu.memory_space<hbm>>) target(%arg7 : memref<4xi32, #tpu.memory_space<vmem>>) target_semaphore(%arg11 : memref<!tpu.dma_semaphore, #tpu.memory_space<semaphore_mem>>)
    %dma_start3A_8 = arith.constant 0 : i32
    %dma_start3A_9 = tpu.memref_slice %arg8[%dma_start3A_8] : memref<16xi32, #tpu.memory_space<vmem>> -> memref<1xi32, #tpu.memory_space<vmem>>
    %dma_start3A_10 = arith.constant 0 : i32
    %dma_start3A_11 = tpu.memref_slice %arg8[%dma_start3A_10] : memref<16xi32, #tpu.memory_space<vmem>> -> memref<1xi32, #tpu.memory_space<vmem>>
    tpu.enqueue_dma source(%arg3 : memref<1xi32, #tpu.memory_space<hbm>>) target(%dma_start3A_11 : memref<1xi32, #tpu.memory_space<vmem>>) target_semaphore(%arg12 : memref<!tpu.dma_semaphore, #tpu.memory_space<semaphore_mem>>)
    %dma_wait3A = arith.constant 0 : i32
    %dma_wait3A_12 = tpu.memref_slice %arg8[%dma_wait3A] : memref<16xi32, #tpu.memory_space<vmem>> -> memref<1xi32, #tpu.memory_space<vmem>>
    %dma_wait3A_13 = arith.constant 0 : i32
    %dma_wait3A_14 = tpu.memref_slice %arg8[%dma_wait3A_13] : memref<16xi32, #tpu.memory_space<vmem>> -> memref<1xi32, #tpu.memory_space<vmem>>
    tpu.wait_dma2 semaphore(%arg12 : memref<!tpu.dma_semaphore, #tpu.memory_space<semaphore_mem>>) src(%arg3 : memref<1xi32, #tpu.memory_space<hbm>>) dst(%dma_wait3A_14 : memref<1xi32, #tpu.memory_space<vmem>>)
    %get3A = arith.constant 0 : index
    %get3A_15 = tpu.vector_load %arg8[%get3A] {strides = array<i32>} : memref<16xi32, #tpu.memory_space<vmem>>, vector<16xi32>,
    %get3A_16 = vector.shape_cast %get3A_15 : vector<16xi32> to vector<16xi32>
    %add3A_17 = arith.constant 1 : i32
    %add3A_18 = vector.broadcast %add3A_17 : i32 to vector<16xi32>
    %add3A_19 = arith.addi %get3A_16, %add3A_18 : vector<16xi32>
    %swap3A = arith.constant 0 : index
    %swap3A_20 = tpu.vector_load %arg8[%swap3A] {strides = array<i32>} : memref<16xi32, #tpu.memory_space<vmem>>, vector<16xi32>,
    %swap3A_21 = vector.shape_cast %swap3A_20 : vector<16xi32> to vector<16xi32>
    %swap3A_22 = vector.shape_cast %add3A_19 : vector<16xi32> to vector<16xi32>
    tpu.vector_store %arg8[%swap3A], %swap3A_22 {strides = array<i32>} : memref<16xi32, #tpu.memory_space<vmem>>, vector<16xi32>,
    %dma_start3A_23 = arith.constant 0 : i32
    %dma_start3A_24 = tpu.memref_slice %arg8[%dma_start3A_23] : memref<16xi32, #tpu.memory_space<vmem>> -> memref<1xi32, #tpu.memory_space<vmem>>
    %dma_start3A_25 = arith.constant 0 : i32
    %dma_start3A_26 = arith.constant 0 : i32
    %dma_start3A_27 = tpu.memref_slice %arg5[%dma_start3A_25, %dma_start3A_26] : memref<4096x1024xf32, #tpu.memory_space<hbm>> -> memref<4096x1024xf32, #tpu.memory_space<hbm>>
    tpu.enqueue_indirect_dma source(%dma_start3A_27 : memref<4096x1024xf32, #tpu.memory_space<hbm>>) target(%arg10 : memref<1x1024xf32, #tpu.memory_space<vmem>>) offsets(%dma_start3A_24 : memref<1xi32, #tpu.memory_space<vmem>>) semaphore(%arg12 : memref<!tpu.dma_semaphore, #tpu.memory_space<semaphore_mem>>)
    %dma_wait3A_28 = arith.constant 0 : i32
    %dma_wait3A_29 = tpu.memref_slice %arg2[%add3A, %dma_wait3A_28] : memref<32x4xi32, #tpu.memory_space<hbm>> -> memref<1x4xi32, #tpu.memory_space<hbm>>
    %dma_wait3A_30 = tpu.memref_squeeze %dma_wait3A_29 : memref<1x4xi32, #tpu.memory_space<hbm>> -> memref<4xi32, #tpu.memory_space<hbm>>
    %dma_wait3A_31 = arith.constant 0 : i32
    %dma_wait3A_32 = tpu.memref_slice %arg2[%add3A, %dma_wait3A_31] : memref<32x4xi32, #tpu.memory_space<hbm>> -> memref<1x4xi32, #tpu.memory_space<hbm>>
    %dma_wait3A_33 = tpu.memref_squeeze %dma_wait3A_32 : memref<1x4xi32, #tpu.memory_space<hbm>> -> memref<4xi32, #tpu.memory_space<hbm>>
    tpu.wait_dma2 semaphore(%arg11 : memref<!tpu.dma_semaphore, #tpu.memory_space<semaphore_mem>>) src(%dma_wait3A_33 : memref<4xi32, #tpu.memory_space<hbm>>) dst(%arg7 : memref<4xi32, #tpu.memory_space<vmem>>)
    %dma_start3A_34 = arith.constant 0 : i32
    %dma_start3A_35 = arith.constant 0 : i32
    %dma_start3A_36 = tpu.memref_slice %arg4[%dma_start3A_34, %dma_start3A_35] : memref<8194x1024xf32, #tpu.memory_space<hbm>> -> memref<8194x1024xf32, #tpu.memory_space<hbm>>
    tpu.enqueue_indirect_dma source(%dma_start3A_36 : memref<8194x1024xf32, #tpu.memory_space<hbm>>) target(%arg9 : memref<4x1024xf32, #tpu.memory_space<vmem>>) offsets(%arg7 : memref<4xi32, #tpu.memory_space<vmem>>) semaphore(%arg11 : memref<!tpu.dma_semaphore, #tpu.memory_space<semaphore_mem>>)
    %dma_wait3A_37 = arith.constant 0 : i32
    %dma_wait3A_38 = tpu.memref_slice %arg8[%dma_wait3A_37] : memref<16xi32, #tpu.memory_space<vmem>> -> memref<1xi32, #tpu.memory_space<vmem>>
    %dma_wait3A_39 = arith.constant 0 : i32
    %dma_wait3A_40 = arith.constant 0 : i32
    %dma_wait3A_41 = tpu.memref_slice %arg5[%dma_wait3A_39, %dma_wait3A_40] : memref<4096x1024xf32, #tpu.memory_space<hbm>> -> memref<4096x1024xf32, #tpu.memory_space<hbm>>
    tpu.wait_indirect_dma semaphore(%arg12 : memref<!tpu.dma_semaphore, #tpu.memory_space<semaphore_mem>>) src(%dma_wait3A_41 : memref<4096x1024xf32, #tpu.memory_space<hbm>>) dst(%arg10 : memref<1x1024xf32, #tpu.memory_space<vmem>>)
    %dma_wait3A_42 = arith.constant 0 : i32
    %dma_wait3A_43 = arith.constant 0 : i32
    %dma_wait3A_44 = tpu.memref_slice %arg4[%dma_wait3A_42, %dma_wait3A_43] : memref<8194x1024xf32, #tpu.memory_space<hbm>> -> memref<8194x1024xf32, #tpu.memory_space<hbm>>
    tpu.wait_indirect_dma semaphore(%arg11 : memref<!tpu.dma_semaphore, #tpu.memory_space<semaphore_mem>>) src(%dma_wait3A_44 : memref<8194x1024xf32, #tpu.memory_space<hbm>>) dst(%arg9 : memref<4x1024xf32, #tpu.memory_space<vmem>>)
    %scan3A = arith.constant 0 : i32
    %scan3A_45 = arith.constant 0 : i32
    %scan3A_46 = arith.constant 64 : i32
    %scan3A_47 = arith.addi %scan3A_45, %scan3A_46 : i32
    %scan3A_48 = arith.constant 1 : i32
    scf.for %scan3A_123 = %scan3A_45 to %scan3A_47 step %scan3A_48  : i32 {
      %mul3A_124 = arith.constant 16 : i32
      %mul3A_125 = arith.muli %scan3A_123, %mul3A_124 : i32
      %get3A_126 = arith.constant 0 : i32
      %get3A_127 = arith.index_cast %get3A_126 : i32 to index
      %get3A_128 = arith.index_cast %mul3A_125 : i32 to index
      %get3A_129 = tpu.vector_load %arg10[%get3A_127, %get3A_128] {strides = array<i32>} : memref<1x1024xf32, #tpu.memory_space<vmem>>, vector<1x16xf32>,
      %get3A_130 = vector.shape_cast %get3A_129 : vector<1x16xf32> to vector<16xf32>
      %get3A_131 = arith.constant 0 : i32
      %get3A_132 = arith.index_cast %get3A_131 : i32 to index
      %get3A_133 = arith.index_cast %mul3A_125 : i32 to index
      %get3A_134 = tpu.vector_load %arg9[%get3A_132, %get3A_133] {strides = array<i32>} : memref<4x1024xf32, #tpu.memory_space<vmem>>, vector<1x16xf32>,
      %get3A_135 = vector.shape_cast %get3A_134 : vector<1x16xf32> to vector<16xf32>
      %add3A_136 = arith.addf %get3A_135, %get3A_130 : vector<16xf32>
      %swap3A_137 = arith.constant 0 : i32
      %swap3A_138 = arith.index_cast %swap3A_137 : i32 to index
      %swap3A_139 = arith.index_cast %mul3A_125 : i32 to index
      %swap3A_140 = tpu.vector_load %arg9[%swap3A_138, %swap3A_139] {strides = array<i32>} : memref<4x1024xf32, #tpu.memory_space<vmem>>, vector<1x16xf32>,
      %swap3A_141 = vector.shape_cast %swap3A_140 : vector<1x16xf32> to vector<16xf32>
      %swap3A_142 = vector.shape_cast %add3A_136 : vector<16xf32> to vector<1x16xf32>
      tpu.vector_store %arg9[%swap3A_138, %swap3A_139], %swap3A_142 {strides = array<i32>} : memref<4x1024xf32, #tpu.memory_space<vmem>>, vector<1x16xf32>,
      %get3A_143 = arith.constant 1 : i32
      %get3A_144 = arith.index_cast %get3A_143 : i32 to index
      %get3A_145 = arith.index_cast %mul3A_125 : i32 to index
      %get3A_146 = tpu.vector_load %arg9[%get3A_144, %get3A_145] {strides = array<i32>} : memref<4x1024xf32, #tpu.memory_space<vmem>>, vector<1x16xf32>,
      %get3A_147 = vector.shape_cast %get3A_146 : vector<1x16xf32> to vector<16xf32>
      %add3A_148 = arith.addf %get3A_147, %get3A_130 : vector<16xf32>
      %swap3A_149 = arith.constant 1 : i32
      %swap3A_150 = arith.index_cast %swap3A_149 : i32 to index
      %swap3A_151 = arith.index_cast %mul3A_125 : i32 to index
      %swap3A_152 = tpu.vector_load %arg9[%swap3A_150, %swap3A_151] {strides = array<i32>} : memref<4x1024xf32, #tpu.memory_space<vmem>>, vector<1x16xf32>,
      %swap3A_153 = vector.shape_cast %swap3A_152 : vector<1x16xf32> to vector<16xf32>
      %swap3A_154 = vector.shape_cast %add3A_148 : vector<16xf32> to vector<1x16xf32>
      tpu.vector_store %arg9[%swap3A_150, %swap3A_151], %swap3A_154 {strides = array<i32>} : memref<4x1024xf32, #tpu.memory_space<vmem>>, vector<1x16xf32>,
      %get3A_155 = arith.constant 2 : i32
      %get3A_156 = arith.index_cast %get3A_155 : i32 to index
      %get3A_157 = arith.index_cast %mul3A_125 : i32 to index
      %get3A_158 = tpu.vector_load %arg9[%get3A_156, %get3A_157] {strides = array<i32>} : memref<4x1024xf32, #tpu.memory_space<vmem>>, vector<1x16xf32>,
      %get3A_159 = vector.shape_cast %get3A_158 : vector<1x16xf32> to vector<16xf32>
      %add3A_160 = arith.addf %get3A_159, %get3A_130 : vector<16xf32>
      %swap3A_161 = arith.constant 2 : i32
      %swap3A_162 = arith.index_cast %swap3A_161 : i32 to index
      %swap3A_163 = arith.index_cast %mul3A_125 : i32 to index
      %swap3A_164 = tpu.vector_load %arg9[%swap3A_162, %swap3A_163] {strides = array<i32>} : memref<4x1024xf32, #tpu.memory_space<vmem>>, vector<1x16xf32>,
      %swap3A_165 = vector.shape_cast %swap3A_164 : vector<1x16xf32> to vector<16xf32>
      %swap3A_166 = vector.shape_cast %add3A_160 : vector<16xf32> to vector<1x16xf32>
      tpu.vector_store %arg9[%swap3A_162, %swap3A_163], %swap3A_166 {strides = array<i32>} : memref<4x1024xf32, #tpu.memory_space<vmem>>, vector<1x16xf32>,
      %get3A_167 = arith.constant 3 : i32
      %get3A_168 = arith.index_cast %get3A_167 : i32 to index
      %get3A_169 = arith.index_cast %mul3A_125 : i32 to index
      %get3A_170 = tpu.vector_load %arg9[%get3A_168, %get3A_169] {strides = array<i32>} : memref<4x1024xf32, #tpu.memory_space<vmem>>, vector<1x16xf32>,
      %get3A_171 = vector.shape_cast %get3A_170 : vector<1x16xf32> to vector<16xf32>
      %add3A_172 = arith.addf %get3A_171, %get3A_130 : vector<16xf32>
      %swap3A_173 = arith.constant 3 : i32
      %swap3A_174 = arith.index_cast %swap3A_173 : i32 to index
      %swap3A_175 = arith.index_cast %mul3A_125 : i32 to index
      %swap3A_176 = tpu.vector_load %arg9[%swap3A_174, %swap3A_175] {strides = array<i32>} : memref<4x1024xf32, #tpu.memory_space<vmem>>, vector<1x16xf32>,
      %swap3A_177 = vector.shape_cast %swap3A_176 : vector<1x16xf32> to vector<16xf32>
      %swap3A_178 = vector.shape_cast %add3A_172 : vector<16xf32> to vector<1x16xf32>
      tpu.vector_store %arg9[%swap3A_174, %swap3A_175], %swap3A_178 {strides = array<i32>} : memref<4x1024xf32, #tpu.memory_space<vmem>>, vector<1x16xf32>,
    }
    %scan3A_49 = arith.constant 64 : i32
    %add3A_50 = arith.constant 0 : i32
    %add3A_51 = arith.addi %mul3A_2, %add3A_50 : i32
    %dma_start3A_52 = arith.constant 0 : i32
    %dma_start3A_53 = arith.constant 0 : i32
    %dma_start3A_54 = tpu.memref_slice %arg9[%dma_start3A_52, %dma_start3A_53] : memref<4x1024xf32, #tpu.memory_space<vmem>> -> memref<1x1024xf32, #tpu.memory_space<vmem>>
    %dma_start3A_55 = arith.constant 0 : i32
    %dma_start3A_56 = arith.constant 0 : i32
    %dma_start3A_57 = tpu.memref_slice %arg6[%add3A_51, %dma_start3A_55, %dma_start3A_56] : memref<128x1x1024xf32, #tpu.memory_space<hbm>> -> memref<1x1x1024xf32, #tpu.memory_space<hbm>>
    %dma_start3A_58 = tpu.memref_squeeze %dma_start3A_57 : memref<1x1x1024xf32, #tpu.memory_space<hbm>> -> memref<1x1024xf32, #tpu.memory_space<hbm>>
    %dma_start3A_59 = arith.constant 0 : i32
    %dma_start3A_60 = arith.constant 0 : i32
    %dma_start3A_61 = tpu.memref_slice %arg6[%add3A_51, %dma_start3A_59, %dma_start3A_60] : memref<128x1x1024xf32, #tpu.memory_space<hbm>> -> memref<1x1x1024xf32, #tpu.memory_space<hbm>>
    %dma_start3A_62 = tpu.memref_squeeze %dma_start3A_61 : memref<1x1x1024xf32, #tpu.memory_space<hbm>> -> memref<1x1024xf32, #tpu.memory_space<hbm>>
    %dma_start3A_63 = arith.constant 0 : i32
    %dma_start3A_64 = arith.constant 0 : i32
    %dma_start3A_65 = tpu.memref_slice %arg9[%dma_start3A_63, %dma_start3A_64] : memref<4x1024xf32, #tpu.memory_space<vmem>> -> memref<1x1024xf32, #tpu.memory_space<vmem>>
    tpu.enqueue_dma source(%dma_start3A_65 : memref<1x1024xf32, #tpu.memory_space<vmem>>) target(%dma_start3A_62 : memref<1x1024xf32, #tpu.memory_space<hbm>>) target_semaphore(%arg11 : memref<!tpu.dma_semaphore, #tpu.memory_space<semaphore_mem>>)
    %add3A_66 = arith.constant 1 : i32
    %add3A_67 = arith.addi %mul3A_2, %add3A_66 : i32
    %dma_start3A_68 = arith.constant 1 : i32
    %dma_start3A_69 = arith.constant 0 : i32
    %dma_start3A_70 = tpu.memref_slice %arg9[%dma_start3A_68, %dma_start3A_69] : memref<4x1024xf32, #tpu.memory_space<vmem>> -> memref<1x1024xf32, #tpu.memory_space<vmem>>
    %dma_start3A_71 = arith.constant 0 : i32
    %dma_start3A_72 = arith.constant 0 : i32
    %dma_start3A_73 = tpu.memref_slice %arg6[%add3A_67, %dma_start3A_71, %dma_start3A_72] : memref<128x1x1024xf32, #tpu.memory_space<hbm>> -> memref<1x1x1024xf32, #tpu.memory_space<hbm>>
    %dma_start3A_74 = tpu.memref_squeeze %dma_start3A_73 : memref<1x1x1024xf32, #tpu.memory_space<hbm>> -> memref<1x1024xf32, #tpu.memory_space<hbm>>
    %dma_start3A_75 = arith.constant 0 : i32
    %dma_start3A_76 = arith.constant 0 : i32
    %dma_start3A_77 = tpu.memref_slice %arg6[%add3A_67, %dma_start3A_75, %dma_start3A_76] : memref<128x1x1024xf32, #tpu.memory_space<hbm>> -> memref<1x1x1024xf32, #tpu.memory_space<hbm>>
    %dma_start3A_78 = tpu.memref_squeeze %dma_start3A_77 : memref<1x1x1024xf32, #tpu.memory_space<hbm>> -> memref<1x1024xf32, #tpu.memory_space<hbm>>
    %dma_start3A_79 = arith.constant 1 : i32
    %dma_start3A_80 = arith.constant 0 : i32
    %dma_start3A_81 = tpu.memref_slice %arg9[%dma_start3A_79, %dma_start3A_80] : memref<4x1024xf32, #tpu.memory_space<vmem>> -> memref<1x1024xf32, #tpu.memory_space<vmem>>
    tpu.enqueue_dma source(%dma_start3A_81 : memref<1x1024xf32, #tpu.memory_space<vmem>>) target(%dma_start3A_78 : memref<1x1024xf32, #tpu.memory_space<hbm>>) target_semaphore(%arg11 : memref<!tpu.dma_semaphore, #tpu.memory_space<semaphore_mem>>)
    %add3A_82 = arith.constant 2 : i32
    %add3A_83 = arith.addi %mul3A_2, %add3A_82 : i32
    %dma_start3A_84 = arith.constant 2 : i32
    %dma_start3A_85 = arith.constant 0 : i32
    %dma_start3A_86 = tpu.memref_slice %arg9[%dma_start3A_84, %dma_start3A_85] : memref<4x1024xf32, #tpu.memory_space<vmem>> -> memref<1x1024xf32, #tpu.memory_space<vmem>>
    %dma_start3A_87 = arith.constant 0 : i32
    %dma_start3A_88 = arith.constant 0 : i32
    %dma_start3A_89 = tpu.memref_slice %arg6[%add3A_83, %dma_start3A_87, %dma_start3A_88] : memref<128x1x1024xf32, #tpu.memory_space<hbm>> -> memref<1x1x1024xf32, #tpu.memory_space<hbm>>
    %dma_start3A_90 = tpu.memref_squeeze %dma_start3A_89 : memref<1x1x1024xf32, #tpu.memory_space<hbm>> -> memref<1x1024xf32, #tpu.memory_space<hbm>>
    %dma_start3A_91 = arith.constant 0 : i32
    %dma_start3A_92 = arith.constant 0 : i32
    %dma_start3A_93 = tpu.memref_slice %arg6[%add3A_83, %dma_start3A_91, %dma_start3A_92] : memref<128x1x1024xf32, #tpu.memory_space<hbm>> -> memref<1x1x1024xf32, #tpu.memory_space<hbm>>
    %dma_start3A_94 = tpu.memref_squeeze %dma_start3A_93 : memref<1x1x1024xf32, #tpu.memory_space<hbm>> -> memref<1x1024xf32, #tpu.memory_space<hbm>>
    %dma_start3A_95 = arith.constant 2 : i32
    %dma_start3A_96 = arith.constant 0 : i32
    %dma_start3A_97 = tpu.memref_slice %arg9[%dma_start3A_95, %dma_start3A_96] : memref<4x1024xf32, #tpu.memory_space<vmem>> -> memref<1x1024xf32, #tpu.memory_space<vmem>>
    tpu.enqueue_dma source(%dma_start3A_97 : memref<1x1024xf32, #tpu.memory_space<vmem>>) target(%dma_start3A_94 : memref<1x1024xf32, #tpu.memory_space<hbm>>) target_semaphore(%arg11 : memref<!tpu.dma_semaphore, #tpu.memory_space<semaphore_mem>>)
    %add3A_98 = arith.constant 3 : i32
    %add3A_99 = arith.addi %mul3A_2, %add3A_98 : i32
    %dma_start3A_100 = arith.constant 3 : i32
    %dma_start3A_101 = arith.constant 0 : i32
    %dma_start3A_102 = tpu.memref_slice %arg9[%dma_start3A_100, %dma_start3A_101] : memref<4x1024xf32, #tpu.memory_space<vmem>> -> memref<1x1024xf32, #tpu.memory_space<vmem>>
    %dma_start3A_103 = arith.constant 0 : i32
    %dma_start3A_104 = arith.constant 0 : i32
    %dma_start3A_105 = tpu.memref_slice %arg6[%add3A_99, %dma_start3A_103, %dma_start3A_104] : memref<128x1x1024xf32, #tpu.memory_space<hbm>> -> memref<1x1x1024xf32, #tpu.memory_space<hbm>>
    %dma_start3A_106 = tpu.memref_squeeze %dma_start3A_105 : memref<1x1x1024xf32, #tpu.memory_space<hbm>> -> memref<1x1024xf32, #tpu.memory_space<hbm>>
    %dma_start3A_107 = arith.constant 0 : i32
    %dma_start3A_108 = arith.constant 0 : i32
    %dma_start3A_109 = tpu.memref_slice %arg6[%add3A_99, %dma_start3A_107, %dma_start3A_108] : memref<128x1x1024xf32, #tpu.memory_space<hbm>> -> memref<1x1x1024xf32, #tpu.memory_space<hbm>>
    %dma_start3A_110 = tpu.memref_squeeze %dma_start3A_109 : memref<1x1x1024xf32, #tpu.memory_space<hbm>> -> memref<1x1024xf32, #tpu.memory_space<hbm>>
    %dma_start3A_111 = arith.constant 3 : i32
    %dma_start3A_112 = arith.constant 0 : i32
    %dma_start3A_113 = tpu.memref_slice %arg9[%dma_start3A_111, %dma_start3A_112] : memref<4x1024xf32, #tpu.memory_space<vmem>> -> memref<1x1024xf32, #tpu.memory_space<vmem>>
    tpu.enqueue_dma source(%dma_start3A_113 : memref<1x1024xf32, #tpu.memory_space<vmem>>) target(%dma_start3A_110 : memref<1x1024xf32, #tpu.memory_space<hbm>>) target_semaphore(%arg11 : memref<!tpu.dma_semaphore, #tpu.memory_space<semaphore_mem>>)
    %dma_wait3A_114 = arith.constant 0 : i32
    %dma_wait3A_115 = arith.constant 0 : i32
    %dma_wait3A_116 = arith.constant 0 : i32
    %dma_wait3A_117 = tpu.memref_slice %arg6[%dma_wait3A_115, %dma_wait3A_114, %dma_wait3A_116] : memref<128x1x1024xf32, #tpu.memory_space<hbm>> -> memref<4x1x1024xf32, #tpu.memory_space<hbm>>
    %dma_wait3A_118 = tpu.memref_squeeze %dma_wait3A_117 : memref<4x1x1024xf32, #tpu.memory_space<hbm>> -> memref<4x1024xf32, #tpu.memory_space<hbm>>
    %dma_wait3A_119 = arith.constant 0 : i32
    %dma_wait3A_120 = arith.constant 0 : i32
    %dma_wait3A_121 = tpu.memref_slice %arg6[%dma_wait3A_119, %dma_wait3A_114, %dma_wait3A_120] : memref<128x1x1024xf32, #tpu.memory_space<hbm>> -> memref<4x1x1024xf32, #tpu.memory_space<hbm>>
    %dma_wait3A_122 = tpu.memref_squeeze %dma_wait3A_121 : memref<4x1x1024xf32, #tpu.memory_space<hbm>> -> memref<4x1024xf32, #tpu.memory_space<hbm>>
    tpu.wait_dma2 semaphore(%arg11 : memref<!tpu.dma_semaphore, #tpu.memory_space<semaphore_mem>>) src(%arg9 : memref<4x1024xf32, #tpu.memory_space<vmem>>) dst(%dma_wait3A_122 : memref<4x1024xf32, #tpu.memory_space<hbm>>)
    return
  }
}

</mosaic_0001>

<sc_bundles>
// kernel: speech_embedding_sc.3.cloned.1.call-start
scs
__scs_entry_jumppad:
0x0: {  	(pc) =	sbr.rel $0x88, $3  }
0x1: {  	(tag) =	ssettag $0x0;
	lr =	simm.s32 $0x1  }
0x2: {  	[smem:$0x3F9D] =	sst lr;
	_ =	strace $0xD0000000  }
0x3: {  	_ = 	snop  }
0x4: {  	_ = 	snop  }
0x5: {  	_ = 	snop  }
0x6: {  	_ = 	snop  }
0x7: {  	_ = 	snop  }
__scs_overlays_trampoline_lowered:
0x8: {  	[smem:$0x3FAC] =	sst s0  }
0x9: {  	[smem:$0x3FAD] =	sst s1  }
0xa: {  	[smem:$0x3FAE] =	sst s2  }
0xb: {  	[smem:$0x3FAF] =	sst s3  }
0xc: {  	[smem:$0x3FB0] =	sst s4  }
0xd: {  	[smem:$0x3FB1] =	sst s5  }
0xe: {  	[smem:$0x3FB2] =	sst s6  }
0xf: {  	[smem:$0x3FB3] =	sst s7  }
0x10: {  	[smem:$0x3FB4] =	sst s8  }
0x11: {  	[smem:$0x3FB5] =	sst s9;
	s0 =	simm.s32 @!p0 $0x0  }
0x12: {  	s1 =	sld [smem:$0x3F9B];
	s0 =	simm.s32 @p0 $0x1  }
0x13: {  	[smem:$0x3FB6] =	sst s0;
	s0 =	simm.s32 @!p1 $0x0  }
0x14: {  	s2 =	sld [smem:$0x3F9A];
	s0 =	simm.s32 @p1 $0x1  }
0x15: {  	[smem:$0x3FB7] =	sst s0;
	s0 =	simm.s32 @!p2 $0x0  }
0x16: {  	s3 =	sld [smem:$0x3FDB];
	s0 =	simm.s32 @p2 $0x1  }
0x17: {  	s4 =	simm.s32 $0x1BF5;
	[smem:$0x3FB9] =	sst s0  }
0x18: {  	s0 =	sld [smem:$0x3F9C];
	_ =	swait.ge [sflag:s4], $0x0  }
0x19: {  	s7 =	sld [smem:$0x3F9D]  }
0x1a: {  	s8 =	sadd.s32 $0xFFFFE003, lr  }
0x1b: {  	s9 =	sadd.s32 $0xFFFFFEF7, lr;
	s5 =	simm.s32 $0xFFFFFFFF;
	p2 =	slt.u32 s8, $0xFFFFF086  }
0x1c: {  	p1 =	slt.u32 s9, $0xF7A;
	s5 =	simm.s32 @!p2 $0x0  }
0x1d: {  	s5 =	simm.s32 @p1 $0x1;
	p0 =	seq.s32 s7, s2  }
0x1e: {  	s7 =	smul.u32 @!p0 $0xF7A, s2;
	p2 =	seq.s32 @!p0 s5, $0x0  }
0x1f: {  	s9 =	smul.u32 $0xF7A, s1;
	s8 =	simm.s32 @!p0 $0x1BF5;
	p2 =	por !p2, p0  }
0x20: {  	[sflag:s8] =	ssyncset.s32 @!p0 $0xFFFFF086;
	s6 =	sadd.s32 @!p0 s3, s7;
	s7 =	simm.s32 @!p0 $0x108  }
0x21: {  	s3 =	sadd.s32 s3, s9;
	s6 =	sadd.s32 @!p0 $0x88, s6;
	s7 =	simm.s32 @p2 $0x1082  }
0x22: {  	[simem:s7], [sflag:s8] =	dma.local @!p0 [hbm:s6], $0xF7A  }
0x23: {  	s9 =	sor.u32 $0xD0000000, s2;
	s6 =	simm.s32 $0x108;
	_ =	swait.ge @!p0 [sflag:s8], $0x0  }
0x24: {  	s3 =	sadd.s32 $0x88, s3;
	s6 =	simm.s32 @!p1 $0x1082;
	[sflag:s4] =	ssyncset.s32 $0xFFFFF086  }
0x25: {  	[simem:s6], [sflag:s4] =	dma.local [hbm:s3], $0xF7A  }
0x26: {  	[smem:$0x3F9D] =	sst s1;
	(tag) =	ssettag s2;
	_ =	strace s9  }
0x27: {  	s1 =	sld [smem:$0x3FAD]  }
0x28: {  	s2 =	sld [smem:$0x3FAE]  }
0x29: {  	s4 =	sld [smem:$0x3FB0]  }
0x2a: {  	p0 =	seq.s32 s5, $0x0;
	s5 =	sld [smem:$0x3FB1]  }
0x2b: {  	s6 =	sld [smem:$0x3FB2]  }
0x2c: {  	s7 =	sld [smem:$0x3FB3]  }
0x2d: {  	s3 =	simm.s32 $0x108;
	s8 =	sld [smem:$0x3FB4]  }
0x2e: {  	s3 =	simm.s32 @!p0 $0x1082;
	s9 =	sld [smem:$0x3FB5]  }
0x2f: {  	lr =	sadd.s32 s0, s3;
	s0 =	sld [smem:$0x3FAC]  }
0x30: {  	s3 =	sld [smem:$0x3FAF]  }
0x31: {  	[smem:$0x3FB8] =	sst s10  }
0x32: {  	s10 =	sld [smem:$0x3FB6];
	_ =	sdelay $0x3  }
0x33: {  	p0 =	seq.s32 s10, $0x1;
	s10 =	sld [smem:$0x3FB8];
	_ =	sdelay $0x3  }
0x34: {  	[smem:$0x3FB8] =	sst s10  }
0x35: {  	s10 =	sld [smem:$0x3FB7];
	_ =	sdelay $0x3  }
0x36: {  	p1 =	seq.s32 s10, $0x1;
	s10 =	sld [smem:$0x3FB8];
	_ =	sdelay $0x3  }
0x37: {  	[smem:$0x3FB8] =	sst s10  }
0x38: {  	s10 =	sld [smem:$0x3FB9]  }
0x39: {  	_ = 	snop;
	(pc) =	sbr.ind lr, $3  }
0x3a: {  	_ = 	snop  }
0x3b: {  	_ = 	snop  }
0x3c: {  	p2 =	seq.s32 s10, $0x1;
	s10 =	sld [smem:$0x3FB8]  }
0x3d: {  	_ =	shalt  }
0x3e: {  	_ =	shalt  }
0x3f: {  	_ =	shalt  }
0x40: {  	_ =	shalt  }
0x41: {  	_ =	shalt  }
0x42: {  	_ =	shalt  }
0x43: {  	_ =	shalt  }
0x44: {  	_ =	shalt  }
0x45: {  	_ =	shalt  }
0x46: {  	_ =	shalt  }
0x47: {  	_ =	shalt  }
0x48: {  	_ =	shalt  }
0x49: {  	_ =	shalt  }
0x4a: {  	_ =	shalt  }
0x4b: {  	_ =	shalt  }
0x4c: {  	_ =	shalt  }
0x4d: {  	_ =	shalt  }
0x4e: {  	_ =	shalt  }
0x4f: {  	_ =	shalt  }
0x50: {  	_ =	shalt  }
0x51: {  	_ =	shalt  }
0x52: {  	_ =	shalt  }
0x53: {  	_ =	shalt  }
0x54: {  	_ =	shalt  }
0x55: {  	_ =	shalt  }
0x56: {  	_ =	shalt  }
0x57: {  	_ =	shalt  }
0x58: {  	_ =	shalt  }
0x59: {  	_ =	shalt  }
0x5a: {  	_ =	shalt  }
0x5b: {  	_ =	shalt  }
0x5c: {  	_ =	shalt  }
0x5d: {  	_ =	shalt  }
0x5e: {  	_ =	shalt  }
0x5f: {  	_ =	shalt  }
0x60: {  	_ =	shalt  }
0x61: {  	_ =	shalt  }
0x62: {  	_ =	shalt  }
0x63: {  	_ =	shalt  }
0x64: {  	_ =	shalt  }
0x65: {  	_ =	shalt  }
0x66: {  	_ =	shalt  }
0x67: {  	_ =	shalt  }
0x68: {  	_ =	shalt  }
0x69: {  	_ =	shalt  }
0x6a: {  	_ =	shalt  }
0x6b: {  	_ =	shalt  }
0x6c: {  	_ =	shalt  }
0x6d: {  	_ =	shalt  }
0x6e: {  	_ =	shalt  }
0x6f: {  	_ =	shalt  }
0x70: {  	_ =	shalt  }
0x71: {  	_ =	shalt  }
0x72: {  	_ =	shalt  }
0x73: {  	_ =	shalt  }
0x74: {  	_ =	shalt  }
0x75: {  	_ =	shalt  }
0x76: {  	_ =	shalt  }
0x77: {  	_ =	shalt  }
0x78: {  	_ =	shalt  }
0x79: {  	_ =	shalt  }
0x7a: {  	_ =	shalt  }
0x7b: {  	_ =	shalt  }
0x7c: {  	_ =	shalt  }
0x7d: {  	_ =	shalt  }
0x7e: {  	_ =	shalt  }
0x7f: {  	_ =	shalt  }
0x80: {  	_ =	shalt  }
0x81: {  	_ =	shalt  }
0x82: {  	_ =	shalt  }
0x83: {  	_ =	shalt  }
0x84: {  	_ =	shalt  }
0x85: {  	_ =	shalt  }
0x86: {  	_ =	shalt  }
0x87: {  	_ =	shalt  }
.Lfunc_end0:
.L_simem_size_0:
called_computation_lowered:
.L_overlay_start_0:
0x88: {  	s2 =	sld [smem:$0x3FD9]  }
0x89: {  	s3 =	sld [smem:$0x3FFE];
	_ =	sdelay $0x1  }
0x8a: {  	s1 =	srdreg.scid  }
0x8b: {  	s0 =	sand.u32 $0x1, s1  }
0x8c: {  	s17 =	sshll.u32 s0, $0xA;
	s2 =	sadd.s32 s3, s2  }
0x8d: {  	s2 =	sadd.s32 s2, s17  }
0x8e: {  	[smem:$0x3FC4] =	sst s2  }
0x8f: {  	_ = 	snop  }
0x90: {  	s2 =	sld [smem:$0x3FC8]  }
0x91: {  	s18 =	sld [smem:$0x3FC7]  }
0x92: {  	s4 =	sld [smem:$0x3FC6]  }
0x93: {  	s5 =	sld [smem:$0x3FD0];
	(tm) =	ssettm $0x1  }
0x94: {  	s6 =	sld [smem:$0x3FFB];
	_ =	sdelay $0x3  }
0x95: {  	_ =	strace s6  }
0x96: {  	s6 =	sld [smem:$0x3FFC];
	_ =	sdelay $0x3  }
0x97: {  	_ =	strace s6  }
0x98: {  	s6 =	sld [smem:$0x3FFD];
	_ =	sdelay $0x3  }
0x99: {  	_ =	strace s6  }
0x9a: {  	_ =	strace $0x8FFFFFFF  }
0x9b: {  	s19 =	sld [smem:$0x3FDB];
	_ =	sdelay $0x1  }
0x9c: {  	s7 =	simm.s32 $_scs_section_size  }
0x9d: {  	s8 =	simm.s32 $_size__tile_overlayer_lowered;
	s9 =	simm.s32 $_tile_overlayer_lowered  }
0x9e: {  	s22 =	simm.s32 $0x1BFF;
	s21 =	sshll.u32 s9, $0x1;
	s6 =	sadd.s32 s7, s19  }
0x9f: {  	s10 =	simm.s32 $0x0;
	s20 =	sshll.u32 s8, $0x1;
	s8 =	sadd.s32 s21, s6  }
0xa0: {  	[timem:s10], [sflag:s22] =	dma.local [hbm:s8], s20  }
0xa1: {  	_ =	swait.ge [sflag:s22], s20  }
0xa2: {  	s7 =	ssub.s32 $0x0, s20;
	[sflag:s22] =	ssyncset.done $0x0  }
0xa3: {  	[sflag:s22] =	ssyncadd.s32 s7;
	_ =	sdelay $0x1  }
0xa4: {  	s23 =	simm.s32 $0x1B8B  }
0xa5: {  	_ =	swait.ge [sflag:s23], $0x1  }
0xa6: {  	[sflag:s23] =	ssyncset.done $0x0  }
0xa7: {  	s25 =	simm.s32 $0x1B8E;
	s24 =	sld [smem:$0x3FFE];
	[sflag:s23] =	ssyncadd.s32 $0xFFFFFFFF  }
0xa8: {  	s26 =	simm.s32 $execute0_lowered;
	[smem:$0x3FD2] =	sst s25  }
0xa9: {  	s8 =	sshll.u32 s26, $0x1;
	_ =	strace $0x80000046;
	[dreg:$0x1] =	wrdreg $0xFFFFFFFF  }
0xaa: {  	s28 =	simm.s32 $_size_execute0_lowered;
	s6 =	sadd.s32 s6, s8;
	[dreg:$0x0] =	wrdreg $0x0  }
0xab: {  	s8 =	sshll.u32 s28, $0x1;
	[dreg:$0x2] =	wrdreg s6  }
0xac: {  	[dreg:$0x3] =	wrdreg s8  }
0xad: {  	[dreg:$0x4] =	wrdreg $0xC0  }
0xae: {  	_ =	task [dreg:s10], $0x5FFFF  }
0xaf: {  	[dreg:$0x1] =	wrdreg $0xFFFFFFFF  }
0xb0: {  	[dreg:$0x0] =	wrdreg $0x60  }
0xb1: {  	[dreg:$0x2] =	wrdreg s24  }
0xb2: {  	[dreg:$0x3] =	wrdreg s2  }
0xb3: {  	[dreg:$0x4] =	wrdreg s18  }
0xb4: {  	[dreg:$0x5] =	wrdreg s4  }
0xb5: {  	[dreg:$0x6] =	wrdreg s5  }
0xb6: {  	[dreg:$0x7] =	wrdreg $0x9  }
0xb7: {  	_ =	task.clear_ibuf [dreg:s10], $0x8FFFF;
	_ =	strace $0x90000046  }
0xb8: {  	s29 =	simm.s32 $0x9;
	_ =	strace $0x80000048  }
0xb9: {  	_ =	swait.ge [sflag:s29], $0x1  }
0xba: {  	[sflag:s29] =	ssyncadd.s32 $0xFFFFFFFF  }
0xbb: {  	_ =	strace $0x90000048  }
0xbc: {  	_ =	sfence  }
0xbd: {  	s30 =	sld [smem:$0x0];
	_ =	sdelay $0x2  }
0xbe: {  	s31 =	sshll.u32 s1, $0xD;
	s1 =	sshrl.u32 s1, $0x2  }
0xbf: {  	s3 =	sand.u32 $0x4000, s31;
	s1 =	sadd.s32 s1, s30  }
0xc0: {  	s0 =	sor.u32 s3, s0;
	s1 =	sshll.u32 s1, $0x11  }
0xc1: {  	s0 =	sor.u32 s1, s0  }
0xc2: {  	s0 =	sadd.s32 $0x8F2B, s0  }
0xc3: {  	[sflag:s0] =	ssyncadd.remote.s32 $0x1  }
0xc4: {  	_ =	sfence.sel $0xFFFF  }
0xc5: {  	[dreg:$0x0] =	wrdreg $0xFFFFFFFF;
	(pc) =	sbr.abs _section_cstart, $3  }
0xc6: {  	[dreg:$0x1] =	wrdreg $0xFFFFFFFF  }
0xc7: {  	_ =	task.clear_ibuf [dreg:s10], $0x2FFFF;
	_ =	strace $0x9FFFFFFF  }
0xc8: {  	(tm) =	ssettm $0x7FFFFFFF  }
0xc9: {  	_ =	shalt  }
tec
execute0_lowered:
.L_overlay_start_1:
0x0: {  	(tag) =	ssettag $0x1  }
0x1: {  	s0 =	rddreg [dreg:$0x0]  }
0x2: {  	s8 =	rddreg [dreg:$0x2]  }
0x3: {  	s1 =	rddreg [dreg:$0x4]  }
0x4: {  	s2 =	srdreg.scid;
	s3 =	stileid.u32  }
0x5: {  	s5 =	simm.s32 $0x0;
	s14 =	simm.s32 $0x2;
	s16 =	simm.s32 $0x1  }
0x6: {  	s17 =	simm.s32 $0x100;
	s18 =	simm.s32 $0x900;
	s13 =	simm.s32 $0xA80  }
0x7: {  	s15 =	simm.s32 $0xC80;
	s20 =	simm.s32 $0xE80;
	s22 =	simm.s32 $0x1080  }
0x8: {  	s24 =	simm.s32 $0x0;
	s2 =	sand.u32 $0x1, s2;
	s3 =	sshll.u32 s3, $0x1  }
0x9: {  	[smem:$0x7FF] =	sst s5;
	s8 =	sadd.s32 $0x200, s8;
	s4 =	ssub.s32 $0x2, s2  }
0xa: {  	s2 =	sor.u32 s2, s3;
	_ =	strace $0x80000047;
	s31 =	sshrl.u32 s4, $0x1  }
0xb: {  	s6 =	sshll.u32 s2, $0x9;
	s2 =	sshll.u32 s2, $0x4;
	s3 =	ssub.s32 s4, s31  }
0xc: {  	s6 =	sadd.s32 s1, s6;
	s7 =	sadd.s32 s0, s2;
	s1 =	simm.s32 $0x480  }
0xd: {  	s4 =	simm.s32 $0x680;
	s2 =	simm.s32 $0x880;
	s9 =	sadd.s32 $0x80, s6  }
0xe: {  	v0 =	vimm.s32 $0x0;
	v2 =	vlaneseq.u32;
	s10 =	sadd.s32 $0x100, s6;
	s11 =	sadd.s32 $0x180, s6;
	s12 =	smax.u32 s3, $0x1  }
0xf: {  	vm0 =	vmmov $0xff;
	vm1 =	vmmov $0xffff;
	v3 =	vshrl.u32 v2, $0x2;
	s19 =	sadd.s32 $0x10, s6;
	s21 =	sadd.s32 $0x20, s6;
	s23 =	sadd.s32 $0x30, s6  }
0x10: {  	v1 =	vmul.u32 $0x8, v2;
	v2 =	vand.u32 $0x3, v2;
	v3 =	vmul.u32 $0x8, v3;
	s25 =	sadd.s32 $0x40, s6;
	s26 =	sadd.s32 $0x50, s6;
	s3 =	simm.s32 $0x280  }
.LBB2_1:
0x11: {  	[tilespmem:s5], [sflag:$0x1] =	stream.linear.gather [hbm4b:s7+s5], $0x80, $0x38;
	[tilespmem:$0x1500] =	vst v63  }
0x12: {  	s0 =	rddreg [dreg:$0x1];
	s28 =	simm.s32 $0x80  }
0x13: {  	[tilespmem:s28], [sflag:$0x2] =	stream.linear.gather [hbm4b:s0+s5], $0x1, $0x38;
	[tilespmem:$0x1500] =	vst v63  }
0x14: {  	_ =	swait.ge [sflag:s14], $0x1  }
0x15: {  	[sflag:s14] =	ssyncset.done $0x0  }
0x16: {  	[sflag:s14] =	ssyncadd.s32 $0xFFFFFFFF  }
0x17: {  	v4 =	vld [tilespmem:$0x80];
	_ =	sdelay $0x4  }
0x18: {  	v4 =	vadd.s32 $0x1, v4  }
0x19: {  	[tilespmem:$0x80] =	vst v4  }
0x1a: {  	v4 =	vld.msk [tilespmem:$0x80], $0x1;
	_ =	sdelay $0x4  }
0x1b: {  	v5 =	vshll.u32 v4, $0x3  }
0x1c: {  	v4 =	vand.u32 $0x7, v4;
	v5 =	vand.u32 $0xFFFFFFC0, v5  }
0x1d: {  	v4 =	vor.u32 v4, v5  }
0x1e: {  	v4 =	vperm.xlane v4, v0;
	_ =	sdelay $0x1  }
0x1f: {  	v4 =	vadd.s32 v1, v4;
	_ =	sdelay $0x3  }
0x20: {  	s28 =	simm.s32 $0x1100;
	s31 =	rddreg [dreg:$0x3]  }
0x21: {  	[tilespmem:s28], [sflag:$0x2] =	stream.indirect_vreg.gather [hbm4b:s31+s5], $0x80, v4, vm0, $0xb8;
	[tilespmem:$0x1500] =	vst v63  }
0x22: {  	_ =	swait.ge [sflag:s16], $0x80  }
0x23: {  	[sflag:s16] =	ssyncset.done $0x0  }
0x24: {  	[sflag:s16] =	ssyncadd.s32 $0xFFFFFF80  }
0x25: {  	v4 =	vld.msk [tilespmem:$0x0], $0xf;
	_ =	sdelay $0x4  }
0x26: {  	v5 =	vshll.u32 v4, $0x3  }
0x27: {  	v4 =	vand.u32 $0x7, v4;
	v5 =	vand.u32 $0xFFFFFFC0, v5  }
0x28: {  	v4 =	vor.u32 v4, v5  }
0x29: {  	v4 =	vperm.xlane v4, v2;
	_ =	sdelay $0x1  }
0x2a: {  	v4 =	vadd.s32 v3, v4;
	_ =	sdelay $0x3  }
0x2b: {  	s31 =	rddreg [dreg:$0x2]  }
0x2c: {  	[tilespmem:s17], [sflag:$0x1] =	stream.indirect_vreg.gather [hbm4b:s31+s5], $0x80, v4, vm1, $0xb8;
	[tilespmem:$0x1500] =	vst v63  }
0x2d: {  	_ = 	snop  }
0x2e: {  	[tilespmem:s18], [sflag:$0x1] =	stream.indirect_vreg.gather [hbm4b:s8+s5], $0x80, v4, vm1, $0xb8;
	[tilespmem:$0x1500] =	vst v63  }
0x2f: {  	_ =	swait.ge [sflag:s14], $0x400  }
0x30: {  	[sflag:s14] =	ssyncset.done $0x0  }
0x31: {  	[sflag:s14] =	ssyncadd.s32 $0xFFFFFC00  }
0x32: {  	_ =	swait.ge [sflag:s16], $0x1000  }
0x33: {  	s29 =	sand.u32 $0xE00, s5;
	s28 =	sand.u32 $0x70, s5;
	[sflag:s16] =	ssyncset.done $0x0  }
0x34: {  	s28 =	sor.u32 s28, s29;
	[sflag:s16] =	ssyncadd.s32 $0xFFFFF000  }
0x35: {  	v4 =	vld [tilespmem:s28+$0x180]  }
0x36: {  	s29 =	simm.s32 $0x0;
	v6 =	vld [tilespmem:s28+$0x100]  }
0x37: {  	v5 =	vld [tilespmem:s29+$0x1100]  }
0x38: {  	v7 =	vld [tilespmem:s28+$0x280]  }
0x39: {  	s30 =	simm.s32 $0x0;
	s29 =	simm.s32 $0x10;
	v8 =	vld [tilespmem:s28+$0x200]  }
.LBB2_2:
0x3a: {  	p0 =	sne.s32 s29, $0x3F0  }
0x3b: {  	s30 =	sadd.s32 $0x40, s30;
	s31 =	smov.u32 s29;
	s29 =	sadd.s32 $0x10, s29  }
0x3c: {  	v6 =	vadd.f32 v6, v5;
	v4 =	vadd.f32 v4, v5  }
0x3d: {  	s31 =	sand.u32 $0x70, s31;
	s0 =	sand.u32 $0xE00, s30;
	v7 =	vadd.f32 v7, v5  }
0x3e: {  	s0 =	sor.u32 s31, s0;
	[tilespmem:s28+$0x180] =	vst v4;
	v5 =	vadd.f32 v8, v5  }
0x3f: {  	v4 =	vld [tilespmem:s0+$0x180];
	[tilespmem:s28+$0x100] =	vst v6  }
.Ltmp0:
0x40: {  	[tilespmem:s28+$0x200] =	vst v5;
	(pc) =	sbr.rel @p0 .LBB2_2-.Ltmp0, $4  }
0x41: {  	s31 =	sshra.s32 s30, $0x2;
	v6 =	vld [tilespmem:s0+$0x100];
	[tilespmem:s28+$0x280] =	vst v7;
	s28 =	smov.u32 s0  }
0x42: {  	v5 =	vld [tilespmem:s31+$0x1100]  }
0x43: {  	v7 =	vld [tilespmem:s28+$0x280]  }
0x44: {  	v8 =	vld [tilespmem:s28+$0x200]  }
0x45: {  	_ =	sdelay $0x1  }
0x46: {  	v4 =	vadd.f32 v4, v5  }
0x47: {  	v6 =	vadd.f32 v6, v5  }
0x48: {  	[tilespmem:s28+$0x180] =	vst v4;
	v4 =	vadd.f32 v8, v5  }
0x49: {  	v5 =	vadd.f32 v7, v5;
	[tilespmem:s28+$0x100] =	vst v6  }
0x4a: {  	[tilespmem:s28+$0x200] =	vst v4  }
0x4b: {  	[tilespmem:s28+$0x280] =	vst v5  }
0x4c: {  	[hbm4b:s6+s5] =	stream.linear.scatter [tilespmem:s17], [sflag:$0x1], $0x80, $0x38;
	[tilespmem:$0x1500] =	vst v63  }
0x4d: {  	s0 =	simm.s32 $0x300  }
0x4e: {  	[hbm4b:s19+s5] =	stream.linear.scatter [tilespmem:s0], [sflag:$0x1], $0x80, $0x38;
	[tilespmem:$0x1500] =	vst v63  }
0x4f: {  	s28 =	simm.s32 $0x500  }
0x50: {  	[hbm4b:s21+s5] =	stream.linear.scatter [tilespmem:s28], [sflag:$0x1], $0x80, $0x38;
	[tilespmem:$0x1500] =	vst v63  }
0x51: {  	s29 =	simm.s32 $0x700  }
0x52: {  	[hbm4b:s23+s5] =	stream.linear.scatter [tilespmem:s29], [sflag:$0x1], $0x80, $0x38;
	[tilespmem:$0x1500] =	vst v63  }
0x53: {  	_ = 	snop  }
0x54: {  	[hbm4b:s25+s5] =	stream.linear.scatter [tilespmem:s18], [sflag:$0x1], $0x80, $0x38;
	[tilespmem:$0x1500] =	vst v63  }
0x55: {  	s30 =	simm.s32 $0xB00  }
0x56: {  	[hbm4b:s26+s5] =	stream.linear.scatter [tilespmem:s30], [sflag:$0x1], $0x80, $0x38;
	[tilespmem:$0x1500] =	vst v63  }
0x57: {  	s31 =	sadd.s32 $0x60, s6;
	s29 =	simm.s32 $0xD00  }
0x58: {  	[hbm4b:s31+s5] =	stream.linear.scatter [tilespmem:s29], [sflag:$0x1], $0x80, $0x38;
	[tilespmem:$0x1500] =	vst v63  }
0x59: {  	s30 =	sadd.s32 $0x70, s6;
	s31 =	simm.s32 $0xF00  }
0x5a: {  	[hbm4b:s30+s5] =	stream.linear.scatter [tilespmem:s31], [sflag:$0x1], $0x80, $0x38;
	[tilespmem:$0x1500] =	vst v63  }
0x5b: {  	s29 =	simm.s32 $0x180  }
0x5c: {  	[hbm4b:s9+s5] =	stream.linear.scatter [tilespmem:s29], [sflag:$0x1], $0x80, $0x38;
	[tilespmem:$0x1500] =	vst v63  }
0x5d: {  	s30 =	sadd.s32 $0x10, s9;
	s31 =	simm.s32 $0x380  }
0x5e: {  	[hbm4b:s30+s5] =	stream.linear.scatter [tilespmem:s31], [sflag:$0x1], $0x80, $0x38;
	[tilespmem:$0x1500] =	vst v63  }
0x5f: {  	s29 =	sadd.s32 $0x20, s9;
	s30 =	simm.s32 $0x580  }
0x60: {  	[hbm4b:s29+s5] =	stream.linear.scatter [tilespmem:s30], [sflag:$0x1], $0x80, $0x38;
	[tilespmem:$0x1500] =	vst v63  }
0x61: {  	s31 =	sadd.s32 $0x30, s9;
	s29 =	simm.s32 $0x780  }
0x62: {  	[hbm4b:s31+s5] =	stream.linear.scatter [tilespmem:s29], [sflag:$0x1], $0x80, $0x38;
	[tilespmem:$0x1500] =	vst v63  }
0x63: {  	s30 =	sadd.s32 $0x40, s9;
	s31 =	simm.s32 $0x980  }
0x64: {  	[hbm4b:s30+s5] =	stream.linear.scatter [tilespmem:s31], [sflag:$0x1], $0x80, $0x38;
	[tilespmem:$0x1500] =	vst v63  }
0x65: {  	s29 =	sadd.s32 $0x50, s9;
	s30 =	simm.s32 $0xB80  }
0x66: {  	[hbm4b:s29+s5] =	stream.linear.scatter [tilespmem:s30], [sflag:$0x1], $0x80, $0x38;
	[tilespmem:$0x1500] =	vst v63  }
0x67: {  	s31 =	sadd.s32 $0x60, s9;
	s29 =	simm.s32 $0xD80  }
0x68: {  	[hbm4b:s31+s5] =	stream.linear.scatter [tilespmem:s29], [sflag:$0x1], $0x80, $0x38;
	[tilespmem:$0x1500] =	vst v63  }
0x69: {  	s30 =	sadd.s32 $0x70, s9;
	s31 =	simm.s32 $0xF80  }
0x6a: {  	[hbm4b:s30+s5] =	stream.linear.scatter [tilespmem:s31], [sflag:$0x1], $0x80, $0x38;
	[tilespmem:$0x1500] =	vst v63  }
0x6b: {  	s29 =	simm.s32 $0x200  }
0x6c: {  	[hbm4b:s10+s5] =	stream.linear.scatter [tilespmem:s29], [sflag:$0x1], $0x80, $0x38;
	[tilespmem:$0x1500] =	vst v63  }
0x6d: {  	s30 =	sadd.s32 $0x10, s10;
	s31 =	simm.s32 $0x400  }
0x6e: {  	[hbm4b:s30+s5] =	stream.linear.scatter [tilespmem:s31], [sflag:$0x1], $0x80, $0x38;
	[tilespmem:$0x1500] =	vst v63  }
0x6f: {  	s29 =	sadd.s32 $0x20, s10;
	s30 =	simm.s32 $0x600  }
0x70: {  	[hbm4b:s29+s5] =	stream.linear.scatter [tilespmem:s30], [sflag:$0x1], $0x80, $0x38;
	[tilespmem:$0x1500] =	vst v63  }
0x71: {  	s31 =	sadd.s32 $0x30, s10;
	s29 =	simm.s32 $0x800  }
0x72: {  	[hbm4b:s31+s5] =	stream.linear.scatter [tilespmem:s29], [sflag:$0x1], $0x80, $0x38;
	[tilespmem:$0x1500] =	vst v63  }
0x73: {  	s30 =	sadd.s32 $0x40, s10;
	s31 =	simm.s32 $0xA00  }
0x74: {  	[hbm4b:s30+s5] =	stream.linear.scatter [tilespmem:s31], [sflag:$0x1], $0x80, $0x38;
	[tilespmem:$0x1500] =	vst v63  }
0x75: {  	s29 =	sadd.s32 $0x50, s10;
	s30 =	simm.s32 $0xC00  }
0x76: {  	[hbm4b:s29+s5] =	stream.linear.scatter [tilespmem:s30], [sflag:$0x1], $0x80, $0x38;
	[tilespmem:$0x1500] =	vst v63  }
0x77: {  	s31 =	sadd.s32 $0x60, s10;
	s29 =	simm.s32 $0xE00  }
0x78: {  	[hbm4b:s31+s5] =	stream.linear.scatter [tilespmem:s29], [sflag:$0x1], $0x80, $0x38;
	[tilespmem:$0x1500] =	vst v63  }
0x79: {  	s30 =	sadd.s32 $0x70, s10;
	s31 =	simm.s32 $0x1000  }
0x7a: {  	[hbm4b:s30+s5] =	stream.linear.scatter [tilespmem:s31], [sflag:$0x1], $0x80, $0x38;
	[tilespmem:$0x1500] =	vst v63  }
0x7b: {  	_ = 	snop  }
0x7c: {  	[hbm4b:s11+s5] =	stream.linear.scatter [tilespmem:s3], [sflag:$0x1], $0x80, $0x38;
	[tilespmem:$0x1500] =	vst v63  }
0x7d: {  	s29 =	sadd.s32 $0x10, s11  }
0x7e: {  	[hbm4b:s29+s5] =	stream.linear.scatter [tilespmem:s1], [sflag:$0x1], $0x80, $0x38;
	[tilespmem:$0x1500] =	vst v63  }
0x7f: {  	s30 =	sadd.s32 $0x20, s11  }
0x80: {  	[hbm4b:s30+s5] =	stream.linear.scatter [tilespmem:s4], [sflag:$0x1], $0x80, $0x38;
	[tilespmem:$0x1500] =	vst v63  }
0x81: {  	s31 =	sadd.s32 $0x30, s11  }
0x82: {  	[hbm4b:s31+s5] =	stream.linear.scatter [tilespmem:s2], [sflag:$0x1], $0x80, $0x38;
	[tilespmem:$0x1500] =	vst v63  }
0x83: {  	s28 =	sadd.s32 $0x40, s11  }
0x84: {  	[hbm4b:s28+s5] =	stream.linear.scatter [tilespmem:s13], [sflag:$0x1], $0x80, $0x38;
	[tilespmem:$0x1500] =	vst v63  }
0x85: {  	s24 =	sadd.s32 $0x1, s24;
	s29 =	sadd.s32 $0x50, s11  }
0x86: {  	[hbm4b:s29+s5] =	stream.linear.scatter [tilespmem:s15], [sflag:$0x1], $0x80, $0x38;
	[tilespmem:$0x1500] =	vst v63  }
0x87: {  	p0 =	sne.s32 s24, s12;
	s30 =	sadd.s32 $0x60, s11  }
0x88: {  	[hbm4b:s30+s5] =	stream.linear.scatter [tilespmem:s20], [sflag:$0x1], $0x80, $0x38;
	[tilespmem:$0x1500] =	vst v63  }
.Ltmp1:
0x89: {  	s31 =	sadd.s32 $0x70, s11;
	(pc) =	sbr.rel @p0 .LBB2_1-.Ltmp1, $4  }
0x8a: {  	[hbm4b:s31+s5] =	stream.linear.scatter [tilespmem:s22], [sflag:$0x1], $0x80, $0x38;
	[tilespmem:$0x1500] =	vst v63  }
0x8b: {  	_ =	swait.ge [sflag:s16], $0x1000  }
0x8c: {  	[sflag:s16] =	ssyncset.done $0x0  }
0x8d: {  	[sflag:s16] =	ssyncadd.s32 $0xFFFFF000  }
0x8e: {  	_ =	sfence.sel $0x180000  }
0x8f: {  	[bflag:$0x0] =	sbarrier.arrive $0xFFFF  }
0x90: {  	_ =	strace $0x90000047  }
0x91: {  	s0 =	stileid.u32;
	[bflag:$0x2] =	sbarrier.arrive $0xFFFF  }
0x92: {  	p0 =	sne.s32 s0, $0x0;
	s0 =	rddreg [dreg:$0x5]  }
0x93: {  	s0 =	sadd.s32 @!p0 $0x100000, s0  }
0x94: {  	[sflag:s0] =	ssyncadd.tile.s32 @!p0 $0x1;
	_ =	shalt  }
.Lfunc_end2:
_tile_overlayer_lowered:
.L_overlay_start_2:
0x95: {  	(tag) =	ssettag $0x2  }
0x96: {  	s0 =	rddreg [dreg:$0x0];
	s2 =	stileid.u32  }
0x97: {  	s1 =	rddreg [dreg:$0x1];
	p0 =	sne.s32 s2, $0x0  }
0x98: {  	s3 =	rddreg [dreg:$0x2];
	[bflag:$0x3] =	sbarrier.arrive $0xFFFF;
	s2 =	simm.s32 @!p0 $0x1C03  }
0x99: {  	[timem:s3], [sflag:s2] =	dma.local @!p0 [hbm:s0], s1  }
0x9a: {  	s0 =	simm.s32 @!p0 $0x3  }
0x9b: {  	_ =	swait.ge @!p0 [sflag:s0], s1  }
0x9c: {  	s1 =	ssub.s32 @!p0 $0x0, s1;
	[sflag:s0] =	ssyncset.done @!p0 $0x0  }
0x9d: {  	[sflag:s0] =	ssyncadd.s32 @!p0 s1  }
0x9e: {  	[bflag:$0x3] =	sbarrier.arrive $0xFFFF  }
0x9f: {  	_ =	shalt  }

</sc_bundles>
